<compile_context>
chip_gen: v7x
topology: tpu7x:2x2x1
jax: 0.10.2.dev20260603
libtpu: 0.0.44.dev20260713+nightly
codegen_flags: <defaults>
</compile_context>

<pallas_src>
import functools

import jax
import jax.numpy as jnp
from jax import lax
from jax.experimental import pallas as pl
from jax.experimental.pallas import tpu as pltpu
from jax.experimental.pallas import tpu_sc as plsc

_LANES = 16
_NC = 2
_NS = 16
_NW = _NC * _NS
_CHUNK = 32
_SC_ROWS = 4096
_BLOCK = 2048


def _sc_body(rows, d, x_hbm, ids_hbm, emb_hbm, out_hbm,
             idx_v, emb_v, buf_v, sem):
    wid = lax.axis_index("s") * _NC + lax.axis_index("c")
    rows_per_w = rows // _NW
    n_chunks = rows_per_w // _CHUNK
    groups = d // _LANES
    base = wid * rows_per_w

    pltpu.sync_copy(ids_hbm, idx_v)
    pltpu.async_copy(emb_hbm.at[idx_v], emb_v, sem).wait()

    def chunk_body(g, carry):
        r0 = base + g * _CHUNK
        pltpu.sync_copy(x_hbm.at[pl.ds(r0, _CHUNK)], buf_v)

        def row_body(r, carry2):
            def lane_body(j, carry3):
                sl = pl.ds(j * _LANES, _LANES)
                buf_v[r, sl] = buf_v[r, sl] + emb_v[0, sl]
                return carry3
            return lax.fori_loop(0, groups, lane_body, carry2, unroll=8)

        lax.fori_loop(0, _CHUNK, row_body, carry)
        pltpu.sync_copy(buf_v, out_hbm.at[pl.ds(r0, _CHUNK)])
        return carry

    lax.fori_loop(0, n_chunks, chunk_body, 0)


def _tc_body(ids_ref, x_ref, emb_ref, o_ref):
    row = emb_ref[ids_ref[0], :]
    o_ref[...] = x_ref[...] + row[None, :]


def _tc_add(x, emb_weight, ids_vec):
    rows, d = x.shape
    n_vocab = emb_weight.shape[0]
    grid_spec = pltpu.PrefetchScalarGridSpec(
        num_scalar_prefetch=1,
        grid=(rows // _BLOCK,),
        in_specs=[
            pl.BlockSpec((_BLOCK, d), lambda i, ids: (i, 0)),
            pl.BlockSpec((n_vocab, d), lambda i, ids: (0, 0)),
        ],
        out_specs=pl.BlockSpec((_BLOCK, d), lambda i, ids: (i, 0)),
    )
    return pl.pallas_call(
        _tc_body,
        grid_spec=grid_spec,
        out_shape=jax.ShapeDtypeStruct((rows, d), x.dtype),
        compiler_params=pltpu.CompilerParams(
            dimension_semantics=("parallel",),
        ),
    )(ids_vec, x, emb_weight)


def _sc_add(x, emb_weight, ids16):
    rows, d = x.shape
    mesh = plsc.VectorSubcoreMesh(core_axis_name="c", subcore_axis_name="s")
    k = pl.kernel(
        functools.partial(_sc_body, rows, d),
        mesh=mesh,
        out_type=jax.ShapeDtypeStruct((rows, d), x.dtype),
        scratch_types=[
            pltpu.VMEM((_LANES,), jnp.int32),
            pltpu.VMEM((_LANES, d), jnp.float32),
            pltpu.VMEM((_CHUNK, d), jnp.float32),
            pltpu.SemaphoreType.DMA,
        ],
    )
    return k(x, ids16, emb_weight)


def kernel(lang, emb_weight, dataset_id):
    b, s, d = lang.shape
    rows = b * s
    x = lang.reshape(rows, d)
    did = jnp.asarray(dataset_id, jnp.int32)
    ids16 = jnp.full((_LANES,), did, jnp.int32)

    out_sc = _sc_add(x[:_SC_ROWS], emb_weight, ids16)
    out_tc = _tc_add(x[_SC_ROWS:], emb_weight, did.reshape(1))
    out = jnp.concatenate([out_sc, out_tc], axis=0)
    return out.reshape(b, s, d)

# --- scband reference (transcript-rebuilt; emitter-appended) ---
"""Pipeline reference for scband-dataset-learned-encoding-63221918597569 (READ-ONLY COPY).

The authoritative reference and input builder live on the scoring server;
editing this copy changes nothing except your own understanding.
"""

import jax, jax.numpy as jnp
import numpy as np

D_MODEL = 1024
N_DATASETS = 16
BATCH = 4
SEQ = 8192
INIT_RANGE = 0.1


def setup_inputs(seed: int = 0) -> dict:
    key = jax.random.key(seed)
    k_lang, k_emb = jax.random.split(key)
    lang = jax.random.normal(k_lang, (BATCH, SEQ, D_MODEL), dtype=jnp.float32)
    # nn.Embedding weight, init uniform(-init_range, init_range)
    emb_weight = jax.random.uniform(
        k_emb, (N_DATASETS, D_MODEL), dtype=jnp.float32,
        minval=-INIT_RANGE, maxval=INIT_RANGE,
    )
    dataset_id = 3  # index of vocab.name in the datasets dict
    return {"lang": lang, "emb_weight": emb_weight, "dataset_id": dataset_id}


def reference(lang, emb_weight, dataset_id):
    # dataset_ids = torch.ones(lang.shape[0], dtype=long) * datasets[vocab.name]
    dataset_ids = jnp.ones((lang.shape[0],), dtype=jnp.int32) * dataset_id
    # embedding lookup -> [B, d_model]
    dataset_emb = jnp.take(emb_weight, dataset_ids, axis=0)
    # lang_enc = lang + dataset_emb[:, None]  (broadcast over seq dim)
    lang_enc = lang + dataset_emb[:, None, :]
    return lang_enc

if __name__ == "__main__":
    import jax
    _d = setup_inputs()
    print(jax.jit(kernel)(*tuple(_d.values())))

</pallas_src>

<mosaic_0001>
#map = affine_map<(d0, d1) -> (0, 0)>
#map1 = affine_map<(d0, d1) -> (0)>
module attributes {stable_mosaic.version = 14 : i64} {
  func.func @_sc_body(%arg0: i32, %arg1: i32, %arg2: memref<4096x1024xf32, #tpu.memory_space<hbm>>, %arg3: memref<16xi32, #tpu.memory_space<hbm>>, %arg4: memref<16x1024xf32, #tpu.memory_space<hbm>>, %arg5: memref<4096x1024xf32, #tpu.memory_space<hbm>>, %arg6: memref<16xi32, #tpu.memory_space<vmem>>, %arg7: memref<16x1024xf32, #tpu.memory_space<vmem>>, %arg8: memref<32x1024xf32, #tpu.memory_space<vmem>>, %arg9: memref<!tpu.dma_semaphore, #tpu.memory_space<semaphore_mem>>) attributes {dimension_semantics = [#tpu.dimension_semantics<core_parallel>, #tpu.dimension_semantics<subcore_parallel>], iteration_bounds = array<i64: 2, 16>, scalar_prefetch = 0 : i64, scratch_operands = 4 : i64, tpu.core_type = #tpu.core_type<sc_vector_subcore>, window_params = [{transform_indices = #map}, {transform_indices = #map1}, {transform_indices = #map}, {transform_indices = #map}]} {
    %mul3A = arith.constant 2 : i32
    %mul3A_0 = arith.muli %arg1, %mul3A : i32
    %add3A = arith.addi %mul3A_0, %arg0 : i32
    %mul3A_1 = arith.constant 128 : i32
    %mul3A_2 = arith.muli %add3A, %mul3A_1 : i32
    "tpu.region"() ({
      %run_scoped3A = tpu.sem_alloc : memref<!tpu.dma_semaphore, #tpu.memory_space<semaphore_mem>>
      tpu.enqueue_dma source(%arg3 : memref<16xi32, #tpu.memory_space<hbm>>) target(%arg6 : memref<16xi32, #tpu.memory_space<vmem>>) target_semaphore(%run_scoped3A : memref<!tpu.dma_semaphore, #tpu.memory_space<semaphore_mem>>)
      tpu.wait_dma2 semaphore(%run_scoped3A : memref<!tpu.dma_semaphore, #tpu.memory_space<semaphore_mem>>) src(%arg3 : memref<16xi32, #tpu.memory_space<hbm>>) dst(%arg6 : memref<16xi32, #tpu.memory_space<vmem>>)
      tpu.yield
    }) : () -> ()
    %dma_start3A = arith.constant 0 : i32
    %dma_start3A_3 = arith.constant 0 : i32
    %dma_start3A_4 = tpu.memref_slice %arg4[%dma_start3A, %dma_start3A_3] : memref<16x1024xf32, #tpu.memory_space<hbm>> -> memref<16x1024xf32, #tpu.memory_space<hbm>>
    tpu.enqueue_indirect_dma source(%dma_start3A_4 : memref<16x1024xf32, #tpu.memory_space<hbm>>) target(%arg7 : memref<16x1024xf32, #tpu.memory_space<vmem>>) offsets(%arg6 : memref<16xi32, #tpu.memory_space<vmem>>) semaphore(%arg9 : memref<!tpu.dma_semaphore, #tpu.memory_space<semaphore_mem>>)
    %dma_wait3A = arith.constant 0 : i32
    %dma_wait3A_5 = arith.constant 0 : i32
    %dma_wait3A_6 = tpu.memref_slice %arg4[%dma_wait3A, %dma_wait3A_5] : memref<16x1024xf32, #tpu.memory_space<hbm>> -> memref<16x1024xf32, #tpu.memory_space<hbm>>
    tpu.wait_indirect_dma semaphore(%arg9 : memref<!tpu.dma_semaphore, #tpu.memory_space<semaphore_mem>>) src(%dma_wait3A_6 : memref<16x1024xf32, #tpu.memory_space<hbm>>) dst(%arg7 : memref<16x1024xf32, #tpu.memory_space<vmem>>)
    %scan3A = arith.constant 0 : i32
    %scan3A_7 = arith.constant 0 : i32
    %scan3A_8 = arith.constant 4 : i32
    %scan3A_9 = arith.addi %scan3A_7, %scan3A_8 : i32
    %scan3A_10 = arith.constant 1 : i32
    scf.for %scan3A_12 = %scan3A_7 to %scan3A_9 step %scan3A_10  : i32 {
      %mul3A_13 = arith.constant 32 : i32
      %mul3A_14 = arith.muli %scan3A_12, %mul3A_13 : i32
      %add3A_15 = arith.addi %mul3A_2, %mul3A_14 : i32
      "tpu.region"() ({
        %run_scoped3A = tpu.sem_alloc : memref<!tpu.dma_semaphore, #tpu.memory_space<semaphore_mem>>
        %dma_start3A_21 = arith.constant 0 : i32
        %dma_start3A_22 = tpu.memref_slice %arg2[%add3A_15, %dma_start3A_21] : memref<4096x1024xf32, #tpu.memory_space<hbm>> -> memref<32x1024xf32, #tpu.memory_space<hbm>>
        %dma_start3A_23 = arith.constant 0 : i32
        %dma_start3A_24 = tpu.memref_slice %arg2[%add3A_15, %dma_start3A_23] : memref<4096x1024xf32, #tpu.memory_space<hbm>> -> memref<32x1024xf32, #tpu.memory_space<hbm>>
        tpu.enqueue_dma source(%dma_start3A_24 : memref<32x1024xf32, #tpu.memory_space<hbm>>) target(%arg8 : memref<32x1024xf32, #tpu.memory_space<vmem>>) target_semaphore(%run_scoped3A : memref<!tpu.dma_semaphore, #tpu.memory_space<semaphore_mem>>)
        %dma_wait3A_25 = arith.constant 0 : i32
        %dma_wait3A_26 = tpu.memref_slice %arg2[%add3A_15, %dma_wait3A_25] : memref<4096x1024xf32, #tpu.memory_space<hbm>> -> memref<32x1024xf32, #tpu.memory_space<hbm>>
        %dma_wait3A_27 = arith.constant 0 : i32
        %dma_wait3A_28 = tpu.memref_slice %arg2[%add3A_15, %dma_wait3A_27] : memref<4096x1024xf32, #tpu.memory_space<hbm>> -> memref<32x1024xf32, #tpu.memory_space<hbm>>
        tpu.wait_dma2 semaphore(%run_scoped3A : memref<!tpu.dma_semaphore, #tpu.memory_space<semaphore_mem>>) src(%dma_wait3A_28 : memref<32x1024xf32, #tpu.memory_space<hbm>>) dst(%arg8 : memref<32x1024xf32, #tpu.memory_space<vmem>>)
        tpu.yield
      }) : () -> ()
      %scan3A_16 = arith.constant 0 : i32
      %scan3A_17 = arith.constant 32 : i32
      %scan3A_18 = arith.addi %scan3A_16, %scan3A_17 : i32
      %scan3A_19 = arith.constant 1 : i32
      scf.for %scan3A_21 = %scan3A_16 to %scan3A_18 step %scan3A_19  : i32 {
        %scan3A_22 = arith.constant 0 : i32
        %scan3A_23 = arith.constant 64 : i32
        %scan3A_24 = arith.addi %scan3A_22, %scan3A_23 : i32
        %scan3A_25 = arith.constant 8 : i32
        scf.for %scan3A_27 = %scan3A_22 to %scan3A_24 step %scan3A_25  : i32 {
          %mul3A_28 = arith.constant 16 : i32
          %mul3A_29 = arith.muli %scan3A_27, %mul3A_28 : i32
          %get3A = arith.index_cast %scan3A_21 : i32 to index
          %get3A_30 = arith.index_cast %mul3A_29 : i32 to index
          %get3A_31 = tpu.vector_load %arg8[%get3A, %get3A_30] {strides = array<i32>} : memref<32x1024xf32, #tpu.memory_space<vmem>>, vector<1x16xf32>,
          %get3A_32 = vector.shape_cast %get3A_31 : vector<1x16xf32> to vector<16xf32>
          %get3A_33 = arith.constant 0 : i32
          %get3A_34 = arith.index_cast %get3A_33 : i32 to index
          %get3A_35 = arith.index_cast %mul3A_29 : i32 to index
          %get3A_36 = tpu.vector_load %arg7[%get3A_34, %get3A_35] {strides = array<i32>} : memref<16x1024xf32, #tpu.memory_space<vmem>>, vector<1x16xf32>,
          %get3A_37 = vector.shape_cast %get3A_36 : vector<1x16xf32> to vector<16xf32>
          %add3A_38 = arith.addf %get3A_32, %get3A_37 : vector<16xf32>
          %swap3A = arith.index_cast %scan3A_21 : i32 to index
          %swap3A_39 = arith.index_cast %mul3A_29 : i32 to index
          %swap3A_40 = tpu.vector_load %arg8[%swap3A, %swap3A_39] {strides = array<i32>} : memref<32x1024xf32, #tpu.memory_space<vmem>>, vector<1x16xf32>,
          %swap3A_41 = vector.shape_cast %swap3A_40 : vector<1x16xf32> to vector<16xf32>
          %swap3A_42 = vector.shape_cast %add3A_38 : vector<16xf32> to vector<1x16xf32>
          tpu.vector_store %arg8[%swap3A, %swap3A_39], %swap3A_42 {strides = array<i32>} : memref<32x1024xf32, #tpu.memory_space<vmem>>, vector<1x16xf32>,
          %scan3A_43 = arith.constant 1 : i32
          %scan3A_44 = arith.addi %scan3A_27, %scan3A_43 : i32
          %mul3A_45 = arith.constant 16 : i32
          %mul3A_46 = arith.muli %scan3A_44, %mul3A_45 : i32
          %get3A_47 = arith.index_cast %scan3A_21 : i32 to index
          %get3A_48 = arith.index_cast %mul3A_46 : i32 to index
          %get3A_49 = tpu.vector_load %arg8[%get3A_47, %get3A_48] {strides = array<i32>} : memref<32x1024xf32, #tpu.memory_space<vmem>>, vector<1x16xf32>,
          %get3A_50 = vector.shape_cast %get3A_49 : vector<1x16xf32> to vector<16xf32>
          %get3A_51 = arith.constant 0 : i32
          %get3A_52 = arith.index_cast %get3A_51 : i32 to index
          %get3A_53 = arith.index_cast %mul3A_46 : i32 to index
          %get3A_54 = tpu.vector_load %arg7[%get3A_52, %get3A_53] {strides = array<i32>} : memref<16x1024xf32, #tpu.memory_space<vmem>>, vector<1x16xf32>,
          %get3A_55 = vector.shape_cast %get3A_54 : vector<1x16xf32> to vector<16xf32>
          %add3A_56 = arith.addf %get3A_50, %get3A_55 : vector<16xf32>
          %swap3A_57 = arith.index_cast %scan3A_21 : i32 to index
          %swap3A_58 = arith.index_cast %mul3A_46 : i32 to index
          %swap3A_59 = tpu.vector_load %arg8[%swap3A_57, %swap3A_58] {strides = array<i32>} : memref<32x1024xf32, #tpu.memory_space<vmem>>, vector<1x16xf32>,
          %swap3A_60 = vector.shape_cast %swap3A_59 : vector<1x16xf32> to vector<16xf32>
          %swap3A_61 = vector.shape_cast %add3A_56 : vector<16xf32> to vector<1x16xf32>
          tpu.vector_store %arg8[%swap3A_57, %swap3A_58], %swap3A_61 {strides = array<i32>} : memref<32x1024xf32, #tpu.memory_space<vmem>>, vector<1x16xf32>,
          %scan3A_62 = arith.constant 2 : i32
          %scan3A_63 = arith.addi %scan3A_27, %scan3A_62 : i32
          %mul3A_64 = arith.constant 16 : i32
          %mul3A_65 = arith.muli %scan3A_63, %mul3A_64 : i32
          %get3A_66 = arith.index_cast %scan3A_21 : i32 to index
          %get3A_67 = arith.index_cast %mul3A_65 : i32 to index
          %get3A_68 = tpu.vector_load %arg8[%get3A_66, %get3A_67] {strides = array<i32>} : memref<32x1024xf32, #tpu.memory_space<vmem>>, vector<1x16xf32>,
          %get3A_69 = vector.shape_cast %get3A_68 : vector<1x16xf32> to vector<16xf32>
          %get3A_70 = arith.constant 0 : i32
          %get3A_71 = arith.index_cast %get3A_70 : i32 to index
          %get3A_72 = arith.index_cast %mul3A_65 : i32 to index
          %get3A_73 = tpu.vector_load %arg7[%get3A_71, %get3A_72] {strides = array<i32>} : memref<16x1024xf32, #tpu.memory_space<vmem>>, vector<1x16xf32>,
          %get3A_74 = vector.shape_cast %get3A_73 : vector<1x16xf32> to vector<16xf32>
          %add3A_75 = arith.addf %get3A_69, %get3A_74 : vector<16xf32>
          %swap3A_76 = arith.index_cast %scan3A_21 : i32 to index
          %swap3A_77 = arith.index_cast %mul3A_65 : i32 to index
          %swap3A_78 = tpu.vector_load %arg8[%swap3A_76, %swap3A_77] {strides = array<i32>} : memref<32x1024xf32, #tpu.memory_space<vmem>>, vector<1x16xf32>,
          %swap3A_79 = vector.shape_cast %swap3A_78 : vector<1x16xf32> to vector<16xf32>
          %swap3A_80 = vector.shape_cast %add3A_75 : vector<16xf32> to vector<1x16xf32>
          tpu.vector_store %arg8[%swap3A_76, %swap3A_77], %swap3A_80 {strides = array<i32>} : memref<32x1024xf32, #tpu.memory_space<vmem>>, vector<1x16xf32>,
          %scan3A_81 = arith.constant 3 : i32
          %scan3A_82 = arith.addi %scan3A_27, %scan3A_81 : i32
          %mul3A_83 = arith.constant 16 : i32
          %mul3A_84 = arith.muli %scan3A_82, %mul3A_83 : i32
          %get3A_85 = arith.index_cast %scan3A_21 : i32 to index
          %get3A_86 = arith.index_cast %mul3A_84 : i32 to index
          %get3A_87 = tpu.vector_load %arg8[%get3A_85, %get3A_86] {strides = array<i32>} : memref<32x1024xf32, #tpu.memory_space<vmem>>, vector<1x16xf32>,
          %get3A_88 = vector.shape_cast %get3A_87 : vector<1x16xf32> to vector<16xf32>
          %get3A_89 = arith.constant 0 : i32
          %get3A_90 = arith.index_cast %get3A_89 : i32 to index
          %get3A_91 = arith.index_cast %mul3A_84 : i32 to index
          %get3A_92 = tpu.vector_load %arg7[%get3A_90, %get3A_91] {strides = array<i32>} : memref<16x1024xf32, #tpu.memory_space<vmem>>, vector<1x16xf32>,
          %get3A_93 = vector.shape_cast %get3A_92 : vector<1x16xf32> to vector<16xf32>
          %add3A_94 = arith.addf %get3A_88, %get3A_93 : vector<16xf32>
          %swap3A_95 = arith.index_cast %scan3A_21 : i32 to index
          %swap3A_96 = arith.index_cast %mul3A_84 : i32 to index
          %swap3A_97 = tpu.vector_load %arg8[%swap3A_95, %swap3A_96] {strides = array<i32>} : memref<32x1024xf32, #tpu.memory_space<vmem>>, vector<1x16xf32>,
          %swap3A_98 = vector.shape_cast %swap3A_97 : vector<1x16xf32> to vector<16xf32>
          %swap3A_99 = vector.shape_cast %add3A_94 : vector<16xf32> to vector<1x16xf32>
          tpu.vector_store %arg8[%swap3A_95, %swap3A_96], %swap3A_99 {strides = array<i32>} : memref<32x1024xf32, #tpu.memory_space<vmem>>, vector<1x16xf32>,
          %scan3A_100 = arith.constant 4 : i32
          %scan3A_101 = arith.addi %scan3A_27, %scan3A_100 : i32
          %mul3A_102 = arith.constant 16 : i32
          %mul3A_103 = arith.muli %scan3A_101, %mul3A_102 : i32
          %get3A_104 = arith.index_cast %scan3A_21 : i32 to index
          %get3A_105 = arith.index_cast %mul3A_103 : i32 to index
          %get3A_106 = tpu.vector_load %arg8[%get3A_104, %get3A_105] {strides = array<i32>} : memref<32x1024xf32, #tpu.memory_space<vmem>>, vector<1x16xf32>,
          %get3A_107 = vector.shape_cast %get3A_106 : vector<1x16xf32> to vector<16xf32>
          %get3A_108 = arith.constant 0 : i32
          %get3A_109 = arith.index_cast %get3A_108 : i32 to index
          %get3A_110 = arith.index_cast %mul3A_103 : i32 to index
          %get3A_111 = tpu.vector_load %arg7[%get3A_109, %get3A_110] {strides = array<i32>} : memref<16x1024xf32, #tpu.memory_space<vmem>>, vector<1x16xf32>,
          %get3A_112 = vector.shape_cast %get3A_111 : vector<1x16xf32> to vector<16xf32>
          %add3A_113 = arith.addf %get3A_107, %get3A_112 : vector<16xf32>
          %swap3A_114 = arith.index_cast %scan3A_21 : i32 to index
          %swap3A_115 = arith.index_cast %mul3A_103 : i32 to index
          %swap3A_116 = tpu.vector_load %arg8[%swap3A_114, %swap3A_115] {strides = array<i32>} : memref<32x1024xf32, #tpu.memory_space<vmem>>, vector<1x16xf32>,
          %swap3A_117 = vector.shape_cast %swap3A_116 : vector<1x16xf32> to vector<16xf32>
          %swap3A_118 = vector.shape_cast %add3A_113 : vector<16xf32> to vector<1x16xf32>
          tpu.vector_store %arg8[%swap3A_114, %swap3A_115], %swap3A_118 {strides = array<i32>} : memref<32x1024xf32, #tpu.memory_space<vmem>>, vector<1x16xf32>,
          %scan3A_119 = arith.constant 5 : i32
          %scan3A_120 = arith.addi %scan3A_27, %scan3A_119 : i32
          %mul3A_121 = arith.constant 16 : i32
          %mul3A_122 = arith.muli %scan3A_120, %mul3A_121 : i32
          %get3A_123 = arith.index_cast %scan3A_21 : i32 to index
          %get3A_124 = arith.index_cast %mul3A_122 : i32 to index
          %get3A_125 = tpu.vector_load %arg8[%get3A_123, %get3A_124] {strides = array<i32>} : memref<32x1024xf32, #tpu.memory_space<vmem>>, vector<1x16xf32>,
          %get3A_126 = vector.shape_cast %get3A_125 : vector<1x16xf32> to vector<16xf32>
          %get3A_127 = arith.constant 0 : i32
          %get3A_128 = arith.index_cast %get3A_127 : i32 to index
          %get3A_129 = arith.index_cast %mul3A_122 : i32 to index
          %get3A_130 = tpu.vector_load %arg7[%get3A_128, %get3A_129] {strides = array<i32>} : memref<16x1024xf32, #tpu.memory_space<vmem>>, vector<1x16xf32>,
          %get3A_131 = vector.shape_cast %get3A_130 : vector<1x16xf32> to vector<16xf32>
          %add3A_132 = arith.addf %get3A_126, %get3A_131 : vector<16xf32>
          %swap3A_133 = arith.index_cast %scan3A_21 : i32 to index
          %swap3A_134 = arith.index_cast %mul3A_122 : i32 to index
          %swap3A_135 = tpu.vector_load %arg8[%swap3A_133, %swap3A_134] {strides = array<i32>} : memref<32x1024xf32, #tpu.memory_space<vmem>>, vector<1x16xf32>,
          %swap3A_136 = vector.shape_cast %swap3A_135 : vector<1x16xf32> to vector<16xf32>
          %swap3A_137 = vector.shape_cast %add3A_132 : vector<16xf32> to vector<1x16xf32>
          tpu.vector_store %arg8[%swap3A_133, %swap3A_134], %swap3A_137 {strides = array<i32>} : memref<32x1024xf32, #tpu.memory_space<vmem>>, vector<1x16xf32>,
          %scan3A_138 = arith.constant 6 : i32
          %scan3A_139 = arith.addi %scan3A_27, %scan3A_138 : i32
          %mul3A_140 = arith.constant 16 : i32
          %mul3A_141 = arith.muli %scan3A_139, %mul3A_140 : i32
          %get3A_142 = arith.index_cast %scan3A_21 : i32 to index
          %get3A_143 = arith.index_cast %mul3A_141 : i32 to index
          %get3A_144 = tpu.vector_load %arg8[%get3A_142, %get3A_143] {strides = array<i32>} : memref<32x1024xf32, #tpu.memory_space<vmem>>, vector<1x16xf32>,
          %get3A_145 = vector.shape_cast %get3A_144 : vector<1x16xf32> to vector<16xf32>
          %get3A_146 = arith.constant 0 : i32
          %get3A_147 = arith.index_cast %get3A_146 : i32 to index
          %get3A_148 = arith.index_cast %mul3A_141 : i32 to index
          %get3A_149 = tpu.vector_load %arg7[%get3A_147, %get3A_148] {strides = array<i32>} : memref<16x1024xf32, #tpu.memory_space<vmem>>, vector<1x16xf32>,
          %get3A_150 = vector.shape_cast %get3A_149 : vector<1x16xf32> to vector<16xf32>
          %add3A_151 = arith.addf %get3A_145, %get3A_150 : vector<16xf32>
          %swap3A_152 = arith.index_cast %scan3A_21 : i32 to index
          %swap3A_153 = arith.index_cast %mul3A_141 : i32 to index
          %swap3A_154 = tpu.vector_load %arg8[%swap3A_152, %swap3A_153] {strides = array<i32>} : memref<32x1024xf32, #tpu.memory_space<vmem>>, vector<1x16xf32>,
          %swap3A_155 = vector.shape_cast %swap3A_154 : vector<1x16xf32> to vector<16xf32>
          %swap3A_156 = vector.shape_cast %add3A_151 : vector<16xf32> to vector<1x16xf32>
          tpu.vector_store %arg8[%swap3A_152, %swap3A_153], %swap3A_156 {strides = array<i32>} : memref<32x1024xf32, #tpu.memory_space<vmem>>, vector<1x16xf32>,
          %scan3A_157 = arith.constant 7 : i32
          %scan3A_158 = arith.addi %scan3A_27, %scan3A_157 : i32
          %mul3A_159 = arith.constant 16 : i32
          %mul3A_160 = arith.muli %scan3A_158, %mul3A_159 : i32
          %get3A_161 = arith.index_cast %scan3A_21 : i32 to index
          %get3A_162 = arith.index_cast %mul3A_160 : i32 to index
          %get3A_163 = tpu.vector_load %arg8[%get3A_161, %get3A_162] {strides = array<i32>} : memref<32x1024xf32, #tpu.memory_space<vmem>>, vector<1x16xf32>,
          %get3A_164 = vector.shape_cast %get3A_163 : vector<1x16xf32> to vector<16xf32>
          %get3A_165 = arith.constant 0 : i32
          %get3A_166 = arith.index_cast %get3A_165 : i32 to index
          %get3A_167 = arith.index_cast %mul3A_160 : i32 to index
          %get3A_168 = tpu.vector_load %arg7[%get3A_166, %get3A_167] {strides = array<i32>} : memref<16x1024xf32, #tpu.memory_space<vmem>>, vector<1x16xf32>,
          %get3A_169 = vector.shape_cast %get3A_168 : vector<1x16xf32> to vector<16xf32>
          %add3A_170 = arith.addf %get3A_164, %get3A_169 : vector<16xf32>
          %swap3A_171 = arith.index_cast %scan3A_21 : i32 to index
          %swap3A_172 = arith.index_cast %mul3A_160 : i32 to index
          %swap3A_173 = tpu.vector_load %arg8[%swap3A_171, %swap3A_172] {strides = array<i32>} : memref<32x1024xf32, #tpu.memory_space<vmem>>, vector<1x16xf32>,
          %swap3A_174 = vector.shape_cast %swap3A_173 : vector<1x16xf32> to vector<16xf32>
          %swap3A_175 = vector.shape_cast %add3A_170 : vector<16xf32> to vector<1x16xf32>
          tpu.vector_store %arg8[%swap3A_171, %swap3A_172], %swap3A_175 {strides = array<i32>} : memref<32x1024xf32, #tpu.memory_space<vmem>>, vector<1x16xf32>,
        }
        %scan3A_26 = arith.constant 64 : i32
      }
      %scan3A_20 = arith.constant 32 : i32
      "tpu.region"() ({
        %run_scoped3A = tpu.sem_alloc : memref<!tpu.dma_semaphore, #tpu.memory_space<semaphore_mem>>
        %dma_start3A_21 = arith.constant 0 : i32
        %dma_start3A_22 = tpu.memref_slice %arg5[%add3A_15, %dma_start3A_21] : memref<4096x1024xf32, #tpu.memory_space<hbm>> -> memref<32x1024xf32, #tpu.memory_space<hbm>>
        %dma_start3A_23 = arith.constant 0 : i32
        %dma_start3A_24 = tpu.memref_slice %arg5[%add3A_15, %dma_start3A_23] : memref<4096x1024xf32, #tpu.memory_space<hbm>> -> memref<32x1024xf32, #tpu.memory_space<hbm>>
        tpu.enqueue_dma source(%arg8 : memref<32x1024xf32, #tpu.memory_space<vmem>>) target(%dma_start3A_24 : memref<32x1024xf32, #tpu.memory_space<hbm>>) target_semaphore(%run_scoped3A : memref<!tpu.dma_semaphore, #tpu.memory_space<semaphore_mem>>)
        %dma_wait3A_25 = arith.constant 0 : i32
        %dma_wait3A_26 = tpu.memref_slice %arg5[%add3A_15, %dma_wait3A_25] : memref<4096x1024xf32, #tpu.memory_space<hbm>> -> memref<32x1024xf32, #tpu.memory_space<hbm>>
        %dma_wait3A_27 = arith.constant 0 : i32
        %dma_wait3A_28 = tpu.memref_slice %arg5[%add3A_15, %dma_wait3A_27] : memref<4096x1024xf32, #tpu.memory_space<hbm>> -> memref<32x1024xf32, #tpu.memory_space<hbm>>
        tpu.wait_dma2 semaphore(%run_scoped3A : memref<!tpu.dma_semaphore, #tpu.memory_space<semaphore_mem>>) src(%arg8 : memref<32x1024xf32, #tpu.memory_space<vmem>>) dst(%dma_wait3A_28 : memref<32x1024xf32, #tpu.memory_space<hbm>>)
        tpu.yield
      }) : () -> ()
    }
    %scan3A_11 = arith.constant 4 : i32
    return
  }
}

module attributes {stable_mosaic.version = 14 : i64} {
  func.func @_tc_body(%arg0: i32, %arg1: memref<1xi32, #tpu.memory_space<smem>>, %arg2: memref<2048x1024xf32, #tpu.memory_space<vmem>>, %arg3: memref<16x1024xf32, #tpu.memory_space<vmem>>, %arg4: memref<2048x1024xf32, #tpu.memory_space<vmem>>) attributes {dimension_semantics = [#tpu.dimension_semantics<parallel>], iteration_bounds = array<i64: 14>, scalar_prefetch = 1 : i64, scratch_operands = 0 : i64, tpu.core_type = #tpu.core_type<tc>, window_params = [{transform_indices = @transform_0, window_bounds = array<i64: 2048, 1024>}, {pipeline_mode = #tpu.pipeline_mode<synchronous>, transform_indices = @transform_1, window_bounds = array<i64: 16, 1024>}, {transform_indices = @transform_2, window_bounds = array<i64: 2048, 1024>}]} {
    %get3A = arith.constant 0 : index
    %get3A_0 = memref.load %arg1[%get3A] : memref<1xi32, #tpu.memory_space<smem>>
    %get3A_1 = arith.index_cast %get3A_0 : i32 to index
    %get3A_2 = arith.constant 0 : index
    %get3A_3 = vector.load %arg3[%get3A_1, %get3A_2] : memref<16x1024xf32, #tpu.memory_space<vmem>>, vector<1x1024xf32>
    %get3A_4 = vector.shape_cast %get3A_3 : vector<1x1024xf32> to vector<1024xf32>
    %get3A_5 = arith.constant 0 : index
    %get3A_6 = arith.constant 0 : index
    %get3A_7 = vector.load %arg2[%get3A_5, %get3A_6] : memref<2048x1024xf32, #tpu.memory_space<vmem>>, vector<2048x1024xf32>
    %broadcast_in_dim3A = vector.shape_cast %get3A_4 : vector<1024xf32> to vector<1x1024xf32>
    %add3A = vector.broadcast %broadcast_in_dim3A : vector<1x1024xf32> to vector<2048x1024xf32>
    %add3A_8 = arith.addf %get3A_7, %add3A : vector<2048x1024xf32>
    %swap3A = arith.constant 0 : index
    %swap3A_9 = arith.constant 0 : index
    %swap3A_10 = vector.load %arg4[%swap3A, %swap3A_9] : memref<2048x1024xf32, #tpu.memory_space<vmem>>, vector<2048x1024xf32>
    tpu.vector_store %arg4[%swap3A, %swap3A_9], %add3A_8 {strides = array<i32>} : memref<2048x1024xf32, #tpu.memory_space<vmem>>, vector<2048x1024xf32>,
    return
  }
  func.func @transform_0(%arg0: i32, %arg1: memref<1xi32, #tpu.memory_space<smem>>) -> (i32, i32) {
    %c0_i32 = arith.constant 0 : i32
    %c0_i32_0 = arith.constant 0 : i32
    return %arg0, %c0_i32 : i32, i32
  }
  func.func @transform_1(%arg0: i32, %arg1: memref<1xi32, #tpu.memory_space<smem>>) -> (i32, i32) {
    %c0_i32 = arith.constant 0 : i32
    %c0_i32_0 = arith.constant 0 : i32
    %c0_i32_1 = arith.constant 0 : i32
    return %c0_i32, %c0_i32_0 : i32, i32
  }
  func.func @transform_2(%arg0: i32, %arg1: memref<1xi32, #tpu.memory_space<smem>>) -> (i32, i32) {
    %c0_i32 = arith.constant 0 : i32
    %c0_i32_0 = arith.constant 0 : i32
    return %arg0, %c0_i32 : i32, i32
  }
}

</mosaic_0001>

<sc_bundles>
// kernel: kernel.4.cloned.1.call-start
scs
__scs_entry_jumppad:
0x0: {  	(pc) =	sbr.rel $0x88, $3  }
0x1: {  	(tag) =	ssettag $0x0;
	lr =	simm.s32 $0x1  }
0x2: {  	[smem:$0x3F9E] =	sst lr;
	_ =	strace $0xD0000000  }
0x3: {  	_ = 	snop  }
0x4: {  	_ = 	snop  }
0x5: {  	_ = 	snop  }
0x6: {  	_ = 	snop  }
0x7: {  	_ = 	snop  }
__scs_overlays_trampoline_lowered:
0x8: {  	[smem:$0x3FAD] =	sst s0  }
0x9: {  	[smem:$0x3FAE] =	sst s1  }
0xa: {  	[smem:$0x3FAF] =	sst s2  }
0xb: {  	[smem:$0x3FB0] =	sst s3  }
0xc: {  	[smem:$0x3FB1] =	sst s4  }
0xd: {  	[smem:$0x3FB2] =	sst s5  }
0xe: {  	[smem:$0x3FB3] =	sst s6  }
0xf: {  	[smem:$0x3FB4] =	sst s7  }
0x10: {  	[smem:$0x3FB5] =	sst s8  }
0x11: {  	[smem:$0x3FB6] =	sst s9;
	s0 =	simm.s32 @!p0 $0x0  }
0x12: {  	s1 =	sld [smem:$0x3F9C];
	s0 =	simm.s32 @p0 $0x1  }
0x13: {  	[smem:$0x3FB7] =	sst s0;
	s0 =	simm.s32 @!p1 $0x0  }
0x14: {  	s2 =	sld [smem:$0x3F9B];
	s0 =	simm.s32 @p1 $0x1  }
0x15: {  	[smem:$0x3FB8] =	sst s0;
	s0 =	simm.s32 @!p2 $0x0  }
0x16: {  	s3 =	sld [smem:$0x3FDB];
	s0 =	simm.s32 @p2 $0x1  }
0x17: {  	s4 =	simm.s32 $0x1BF5;
	[smem:$0x3FBA] =	sst s0  }
0x18: {  	s0 =	sld [smem:$0x3F9D];
	_ =	swait.ge [sflag:s4], $0x0  }
0x19: {  	s7 =	sld [smem:$0x3F9E]  }
0x1a: {  	s8 =	sadd.s32 $0xFFFFE003, lr  }
0x1b: {  	s9 =	sadd.s32 $0xFFFFFEF7, lr;
	s5 =	simm.s32 $0xFFFFFFFF;
	p2 =	slt.u32 s8, $0xFFFFF086  }
0x1c: {  	p1 =	slt.u32 s9, $0xF7A;
	s5 =	simm.s32 @!p2 $0x0  }
0x1d: {  	s5 =	simm.s32 @p1 $0x1;
	p0 =	seq.s32 s7, s2  }
0x1e: {  	s7 =	smul.u32 @!p0 $0xF7A, s2;
	p2 =	seq.s32 @!p0 s5, $0x0  }
0x1f: {  	s9 =	smul.u32 $0xF7A, s1;
	s8 =	simm.s32 @!p0 $0x1BF5;
	p2 =	por !p2, p0  }
0x20: {  	[sflag:s8] =	ssyncset.s32 @!p0 $0xFFFFF086;
	s6 =	sadd.s32 @!p0 s3, s7;
	s7 =	simm.s32 @!p0 $0x108  }
0x21: {  	s3 =	sadd.s32 s3, s9;
	s6 =	sadd.s32 @!p0 $0x88, s6;
	s7 =	simm.s32 @p2 $0x1082  }
0x22: {  	[simem:s7], [sflag:s8] =	dma.local @!p0 [hbm:s6], $0xF7A  }
0x23: {  	s9 =	sor.u32 $0xD0000000, s2;
	s6 =	simm.s32 $0x108;
	_ =	swait.ge @!p0 [sflag:s8], $0x0  }
0x24: {  	s3 =	sadd.s32 $0x88, s3;
	s6 =	simm.s32 @!p1 $0x1082;
	[sflag:s4] =	ssyncset.s32 $0xFFFFF086  }
0x25: {  	[simem:s6], [sflag:s4] =	dma.local [hbm:s3], $0xF7A  }
0x26: {  	[smem:$0x3F9E] =	sst s1;
	(tag) =	ssettag s2;
	_ =	strace s9  }
0x27: {  	s1 =	sld [smem:$0x3FAE]  }
0x28: {  	s2 =	sld [smem:$0x3FAF]  }
0x29: {  	s4 =	sld [smem:$0x3FB1]  }
0x2a: {  	p0 =	seq.s32 s5, $0x0;
	s5 =	sld [smem:$0x3FB2]  }
0x2b: {  	s6 =	sld [smem:$0x3FB3]  }
0x2c: {  	s7 =	sld [smem:$0x3FB4]  }
0x2d: {  	s3 =	simm.s32 $0x108;
	s8 =	sld [smem:$0x3FB5]  }
0x2e: {  	s3 =	simm.s32 @!p0 $0x1082;
	s9 =	sld [smem:$0x3FB6]  }
0x2f: {  	lr =	sadd.s32 s0, s3;
	s0 =	sld [smem:$0x3FAD]  }
0x30: {  	s3 =	sld [smem:$0x3FB0]  }
0x31: {  	[smem:$0x3FB9] =	sst s10  }
0x32: {  	s10 =	sld [smem:$0x3FB7];
	_ =	sdelay $0x3  }
0x33: {  	p0 =	seq.s32 s10, $0x1;
	s10 =	sld [smem:$0x3FB9];
	_ =	sdelay $0x3  }
0x34: {  	[smem:$0x3FB9] =	sst s10  }
0x35: {  	s10 =	sld [smem:$0x3FB8];
	_ =	sdelay $0x3  }
0x36: {  	p1 =	seq.s32 s10, $0x1;
	s10 =	sld [smem:$0x3FB9];
	_ =	sdelay $0x3  }
0x37: {  	[smem:$0x3FB9] =	sst s10  }
0x38: {  	s10 =	sld [smem:$0x3FBA]  }
0x39: {  	_ = 	snop;
	(pc) =	sbr.ind lr, $3  }
0x3a: {  	_ = 	snop  }
0x3b: {  	_ = 	snop  }
0x3c: {  	p2 =	seq.s32 s10, $0x1;
	s10 =	sld [smem:$0x3FB9]  }
0x3d: {  	_ =	shalt  }
0x3e: {  	_ =	shalt  }
0x3f: {  	_ =	shalt  }
0x40: {  	_ =	shalt  }
0x41: {  	_ =	shalt  }
0x42: {  	_ =	shalt  }
0x43: {  	_ =	shalt  }
0x44: {  	_ =	shalt  }
0x45: {  	_ =	shalt  }
0x46: {  	_ =	shalt  }
0x47: {  	_ =	shalt  }
0x48: {  	_ =	shalt  }
0x49: {  	_ =	shalt  }
0x4a: {  	_ =	shalt  }
0x4b: {  	_ =	shalt  }
0x4c: {  	_ =	shalt  }
0x4d: {  	_ =	shalt  }
0x4e: {  	_ =	shalt  }
0x4f: {  	_ =	shalt  }
0x50: {  	_ =	shalt  }
0x51: {  	_ =	shalt  }
0x52: {  	_ =	shalt  }
0x53: {  	_ =	shalt  }
0x54: {  	_ =	shalt  }
0x55: {  	_ =	shalt  }
0x56: {  	_ =	shalt  }
0x57: {  	_ =	shalt  }
0x58: {  	_ =	shalt  }
0x59: {  	_ =	shalt  }
0x5a: {  	_ =	shalt  }
0x5b: {  	_ =	shalt  }
0x5c: {  	_ =	shalt  }
0x5d: {  	_ =	shalt  }
0x5e: {  	_ =	shalt  }
0x5f: {  	_ =	shalt  }
0x60: {  	_ =	shalt  }
0x61: {  	_ =	shalt  }
0x62: {  	_ =	shalt  }
0x63: {  	_ =	shalt  }
0x64: {  	_ =	shalt  }
0x65: {  	_ =	shalt  }
0x66: {  	_ =	shalt  }
0x67: {  	_ =	shalt  }
0x68: {  	_ =	shalt  }
0x69: {  	_ =	shalt  }
0x6a: {  	_ =	shalt  }
0x6b: {  	_ =	shalt  }
0x6c: {  	_ =	shalt  }
0x6d: {  	_ =	shalt  }
0x6e: {  	_ =	shalt  }
0x6f: {  	_ =	shalt  }
0x70: {  	_ =	shalt  }
0x71: {  	_ =	shalt  }
0x72: {  	_ =	shalt  }
0x73: {  	_ =	shalt  }
0x74: {  	_ =	shalt  }
0x75: {  	_ =	shalt  }
0x76: {  	_ =	shalt  }
0x77: {  	_ =	shalt  }
0x78: {  	_ =	shalt  }
0x79: {  	_ =	shalt  }
0x7a: {  	_ =	shalt  }
0x7b: {  	_ =	shalt  }
0x7c: {  	_ =	shalt  }
0x7d: {  	_ =	shalt  }
0x7e: {  	_ =	shalt  }
0x7f: {  	_ =	shalt  }
0x80: {  	_ =	shalt  }
0x81: {  	_ =	shalt  }
0x82: {  	_ =	shalt  }
0x83: {  	_ =	shalt  }
0x84: {  	_ =	shalt  }
0x85: {  	_ =	shalt  }
0x86: {  	_ =	shalt  }
0x87: {  	_ =	shalt  }
.Lfunc_end0:
.L_simem_size_0:
called_computation_lowered:
.L_overlay_start_0:
0x88: {  	s2 =	sld [smem:$0x3FD9]  }
0x89: {  	s3 =	sld [smem:$0x3FFE];
	_ =	sdelay $0x1  }
0x8a: {  	s1 =	srdreg.scid  }
0x8b: {  	s0 =	sand.u32 $0x1, s1  }
0x8c: {  	s17 =	sshll.u32 s0, $0xA;
	s2 =	sadd.s32 s3, s2  }
0x8d: {  	s2 =	sadd.s32 s2, s17  }
0x8e: {  	[smem:$0x3FC5] =	sst s2  }
0x8f: {  	_ = 	snop  }
0x90: {  	s2 =	sld [smem:$0x3FC8];
	(tm) =	ssettm $0x1  }
0x91: {  	s18 =	sld [smem:$0x3FFB];
	_ =	sdelay $0x3  }
0x92: {  	_ =	strace s18  }
0x93: {  	s3 =	sld [smem:$0x3FFC];
	_ =	sdelay $0x3  }
0x94: {  	_ =	strace s3  }
0x95: {  	s3 =	sld [smem:$0x3FFD];
	_ =	sdelay $0x3  }
0x96: {  	_ =	strace s3  }
0x97: {  	_ =	strace $0x8FFFFFFF  }
0x98: {  	s19 =	sld [smem:$0x3FDB];
	_ =	sdelay $0x1  }
0x99: {  	s4 =	simm.s32 $_scs_section_size  }
0x9a: {  	s5 =	simm.s32 $_size__tile_overlayer_lowered;
	s6 =	simm.s32 $_tile_overlayer_lowered  }
0x9b: {  	s22 =	simm.s32 $0x1BFF;
	s21 =	sshll.u32 s6, $0x1;
	s3 =	sadd.s32 s4, s19  }
0x9c: {  	s7 =	simm.s32 $0x0;
	s20 =	sshll.u32 s5, $0x1;
	s5 =	sadd.s32 s21, s3  }
0x9d: {  	[timem:s7], [sflag:s22] =	dma.local [hbm:s5], s20  }
0x9e: {  	_ =	swait.ge [sflag:s22], s20  }
0x9f: {  	s4 =	ssub.s32 $0x0, s20;
	[sflag:s22] =	ssyncset.done $0x0  }
0xa0: {  	[sflag:s22] =	ssyncadd.s32 s4;
	_ =	sdelay $0x1  }
0xa1: {  	s23 =	simm.s32 $0x1B8B  }
0xa2: {  	_ =	swait.ge [sflag:s23], $0x1  }
0xa3: {  	[sflag:s23] =	ssyncset.done $0x0  }
0xa4: {  	s25 =	simm.s32 $0x1B8E;
	s24 =	sld [smem:$0x3FFE];
	[sflag:s23] =	ssyncadd.s32 $0xFFFFFFFF  }
0xa5: {  	s26 =	simm.s32 $execute0_lowered;
	[smem:$0x3FD2] =	sst s25  }
0xa6: {  	s5 =	sshll.u32 s26, $0x1;
	_ =	strace $0x80000046;
	[dreg:$0x1] =	wrdreg $0xFFFFFFFF  }
0xa7: {  	s28 =	simm.s32 $_size_execute0_lowered;
	s3 =	sadd.s32 s3, s5;
	[dreg:$0x0] =	wrdreg $0x0  }
0xa8: {  	s5 =	sshll.u32 s28, $0x1;
	[dreg:$0x2] =	wrdreg s3  }
0xa9: {  	[dreg:$0x3] =	wrdreg s5  }
0xaa: {  	[dreg:$0x4] =	wrdreg $0xC0  }
0xab: {  	_ =	task [dreg:s7], $0x5FFFF  }
0xac: {  	[dreg:$0x1] =	wrdreg $0xFFFFFFFF  }
0xad: {  	[dreg:$0x0] =	wrdreg $0x60  }
0xae: {  	[dreg:$0x2] =	wrdreg s24  }
0xaf: {  	[dreg:$0x3] =	wrdreg s2  }
0xb0: {  	[dreg:$0x4] =	wrdreg $0x9  }
0xb1: {  	_ =	task.clear_ibuf [dreg:s7], $0x5FFFF;
	_ =	strace $0x90000046  }
0xb2: {  	s29 =	simm.s32 $0x9;
	_ =	strace $0x80000048  }
0xb3: {  	_ =	swait.ge [sflag:s29], $0x1  }
0xb4: {  	[sflag:s29] =	ssyncadd.s32 $0xFFFFFFFF  }
0xb5: {  	_ =	strace $0x90000048  }
0xb6: {  	_ =	sfence  }
0xb7: {  	s30 =	sld [smem:$0x0];
	_ =	sdelay $0x2  }
0xb8: {  	s31 =	sshll.u32 s1, $0xD;
	s1 =	sshrl.u32 s1, $0x2  }
0xb9: {  	s3 =	sand.u32 $0x4000, s31;
	s1 =	sadd.s32 s1, s30  }
0xba: {  	s0 =	sor.u32 s3, s0;
	s1 =	sshll.u32 s1, $0x11  }
0xbb: {  	s0 =	sor.u32 s1, s0  }
0xbc: {  	s0 =	sadd.s32 $0x8F2B, s0  }
0xbd: {  	[sflag:s0] =	ssyncadd.remote.s32 $0x1  }
0xbe: {  	_ =	sfence.sel $0xFFFF  }
0xbf: {  	[dreg:$0x0] =	wrdreg $0xFFFFFFFF;
	(pc) =	sbr.abs _section_cstart, $3  }
0xc0: {  	[dreg:$0x1] =	wrdreg $0xFFFFFFFF  }
0xc1: {  	_ =	task.clear_ibuf [dreg:s7], $0x2FFFF;
	_ =	strace $0x9FFFFFFF  }
0xc2: {  	(tm) =	ssettm $0x7FFFFFFF  }
0xc3: {  	_ =	shalt  }
tec
execute0_lowered:
.L_overlay_start_1:
0x0: {  	(tag) =	ssettag $0x1  }
0x1: {  	s0 =	rddreg [dreg:$0x0]  }
0x2: {  	s1 =	rddreg [dreg:$0x1];
	s2 =	simm.s32 $0x0  }
0x3: {  	s3 =	srdreg.scid;
	s8 =	stileid.u32;
	s12 =	simm.s32 $0x2  }
0x4: {  	s13 =	simm.s32 $0x80;
	s14 =	simm.s32 $0x880;
	s15 =	simm.s32 $0x1080  }
0x5: {  	s16 =	simm.s32 $0x1880;
	s17 =	simm.s32 $0x2080;
	s18 =	simm.s32 $0x2880  }
0x6: {  	s19 =	simm.s32 $0x3080;
	s20 =	simm.s32 $0x3880;
	s21 =	simm.s32 $0x1  }
0x7: {  	s22 =	simm.s32 $0x4080;
	s23 =	simm.s32 $0x0;
	[smem:$0x7FF] =	sst s2  }
0x8: {  	s4 =	sadd.s32 $0x800, s0;
	s5 =	sadd.s32 $0x80800, s0;
	s3 =	sand.u32 $0x1, s3  }
0x9: {  	s6 =	sadd.s32 $0x80A00, s0;
	s8 =	sshll.u32 s8, $0xF;
	s31 =	ssub.s32 $0x2, s3  }
0xa: {  	v2 =	vlaneseq.u32;
	s9 =	sadd.s32 $0x200, s1;
	s10 =	sadd.s32 $0x300, s1;
	s7 =	sshrl.u32 s31, $0x1  }
0xb: {  	vm0 =	vmmov $0xffff;
	v1 =	vshrl.u32 v2, $0x3;
	_ =	strace $0x80000047;
	s3 =	sshll.u32 s3, $0xE;
	s0 =	ssub.s32 s31, s7  }
0xc: {  	v0 =	vand.u32 $0x7, v2;
	v2 =	vor.u32 $0x8, v2;
	v1 =	vmul.u32 $0x8, v1;
	s7 =	sor.u32 s3, s8;
	s8 =	sadd.s32 $0x100, s1;
	s11 =	smax.u32 s0, $0x1  }
.LBB2_1:
0xd: {  	[tilespmem:s2], [sflag:$0x2] =	stream.linear.gather [hbm4b:s5+s2], $0x80, $0x38;
	[tilespmem:$0xC080] =	vst v63  }
0xe: {  	_ =	swait.ge [sflag:s12], $0x80  }
0xf: {  	[sflag:s12] =	ssyncset.done $0x0  }
0x10: {  	[sflag:s12] =	ssyncadd.s32 $0xFFFFFF80  }
0x11: {  	v3 =	vld [tilespmem:$0x0];
	_ =	sdelay $0x4  }
0x12: {  	v4 =	vshll.u32 v3, $0x3  }
0x13: {  	v3 =	vand.u32 $0x7, v3;
	v4 =	vand.u32 $0xFFFFFFC0, v4  }
0x14: {  	v3 =	vor.u32 v3, v4  }
0x15: {  	v4 =	vperm.xlane v3, v0;
	_ =	sdelay $0x1  }
0x16: {  	v4 =	vadd.s32 v1, v4;
	_ =	sdelay $0x4  }
0x17: {  	[tilespmem:s13], [sflag:$0x1] =	stream.indirect_vreg.gather [hbm4b:s1+s2], $0x80, v4, vm0, $0xb8;
	[tilespmem:$0xC080] =	vst v63  }
0x18: {  	v3 =	vperm.xlane v3, v2  }
0x19: {  	[tilespmem:s14], [sflag:$0x1] =	stream.indirect_vreg.gather [hbm4b:s8+s2], $0x80, v4, vm0, $0xb8;
	[tilespmem:$0xC080] =	vst v63  }
0x1a: {  	v3 =	vadd.s32 v1, v3  }
0x1b: {  	[tilespmem:s15], [sflag:$0x1] =	stream.indirect_vreg.gather [hbm4b:s9+s2], $0x80, v4, vm0, $0xb8;
	[tilespmem:$0xC080] =	vst v63  }
0x1c: {  	_ = 	snop  }
0x1d: {  	[tilespmem:s16], [sflag:$0x1] =	stream.indirect_vreg.gather [hbm4b:s10+s2], $0x80, v4, vm0, $0xb8;
	[tilespmem:$0xC080] =	vst v63  }
0x1e: {  	_ = 	snop  }
0x1f: {  	[tilespmem:s17], [sflag:$0x1] =	stream.indirect_vreg.gather [hbm4b:s1+s2], $0x80, v3, vm0, $0xb8;
	[tilespmem:$0xC080] =	vst v63  }
0x20: {  	_ = 	snop  }
0x21: {  	[tilespmem:s18], [sflag:$0x1] =	stream.indirect_vreg.gather [hbm4b:s8+s2], $0x80, v3, vm0, $0xb8;
	[tilespmem:$0xC080] =	vst v63  }
0x22: {  	_ = 	snop  }
0x23: {  	[tilespmem:s19], [sflag:$0x1] =	stream.indirect_vreg.gather [hbm4b:s9+s2], $0x80, v3, vm0, $0xb8;
	[tilespmem:$0xC080] =	vst v63  }
0x24: {  	_ = 	snop  }
0x25: {  	[tilespmem:s20], [sflag:$0x1] =	stream.indirect_vreg.gather [hbm4b:s10+s2], $0x80, v3, vm0, $0xb8;
	[tilespmem:$0xC080] =	vst v63  }
0x26: {  	_ =	swait.ge [sflag:s21], $0x4000  }
0x27: {  	[sflag:s21] =	ssyncset.done $0x0  }
0x28: {  	s24 =	simm.s32 $0x0;
	[sflag:s21] =	ssyncadd.s32 $0xFFFFC000  }
.LBB2_2:
0x29: {  	s0 =	sshll.u32 s24, $0xC  }
0x2a: {  	s25 =	sadd.s32 s7, s0  }
0x2b: {  	s26 =	simm.s32 $0x0;
	s0 =	sadd.s32 s4, s25  }
0x2c: {  	[tilespmem:s22], [sflag:$0x2] =	stream.linear.gather [hbm4b:s0+s26], $0x8000, $0x38;
	[tilespmem:$0xC080] =	vst v63  }
0x2d: {  	_ =	swait.ge [sflag:s12], $0x8000  }
0x2e: {  	[sflag:s12] =	ssyncset.done $0x0  }
0x2f: {  	s28 =	simm.s32 $0x0;
	s29 =	simm.s32 $0x0;
	[sflag:s12] =	ssyncadd.s32 $0xFFFF8000  }
.LBB2_3:
0x30: {  	s0 =	sshll.u32 s28, $0x2;
	s3 =	sand.u32 $0x7, s26  }
0x31: {  	s0 =	sand.u32 $0xFFFF8000, s0;
	s3 =	sshll.u32 s3, $0x9  }
0x32: {  	s0 =	sor.u32 s3, s0  }
0x33: {  	s31 =	simm.s32 $0xC0;
	s0 =	sshrl.u32 s0, $0x2  }
0x34: {  	v4 =	vld [tilespmem:s31+$0xFFFFFFC0];
	s30 =	sadd.s32 $0x40C0, s0  }
0x35: {  	v3 =	vld [tilespmem:s30+$0xFFFFFFC0];
	_ =	sdelay $0x4  }
0x36: {  	v3 =	vadd.f32 v4, v3;
	_ =	sdelay $0x1  }
0x37: {  	[tilespmem:s30+$0xFFFFFFC0] =	vst v3;
	v3 =	vld [tilespmem:s30+$0xFFFFFFD0]  }
0x38: {  	v4 =	vld [tilespmem:s31+$0xFFFFFFD0];
	_ =	sdelay $0x4  }
0x39: {  	v3 =	vadd.f32 v4, v3;
	_ =	sdelay $0x1  }
0x3a: {  	[tilespmem:s30+$0xFFFFFFD0] =	vst v3;
	v3 =	vld [tilespmem:s30+$0xFFFFFFE0]  }
0x3b: {  	v4 =	vld [tilespmem:s31+$0xFFFFFFE0];
	_ =	sdelay $0x4  }
0x3c: {  	v3 =	vadd.f32 v4, v3;
	_ =	sdelay $0x1  }
0x3d: {  	[tilespmem:s30+$0xFFFFFFE0] =	vst v3;
	v3 =	vld [tilespmem:s30+$0xFFFFFFF0]  }
0x3e: {  	v4 =	vld [tilespmem:s31+$0xFFFFFFF0];
	_ =	sdelay $0x4  }
0x3f: {  	v3 =	vadd.f32 v4, v3;
	_ =	sdelay $0x1  }
0x40: {  	[tilespmem:s30+$0xFFFFFFF0] =	vst v3;
	v3 =	vld [tilespmem:s30+$0x0]  }
0x41: {  	v4 =	vld [tilespmem:s31+$0x0];
	_ =	sdelay $0x4  }
0x42: {  	v3 =	vadd.f32 v4, v3;
	_ =	sdelay $0x1  }
0x43: {  	[tilespmem:s30+$0x0] =	vst v3;
	v3 =	vld [tilespmem:s30+$0x10]  }
0x44: {  	v4 =	vld [tilespmem:s31+$0x10];
	_ =	sdelay $0x4  }
0x45: {  	v3 =	vadd.f32 v4, v3;
	_ =	sdelay $0x1  }
0x46: {  	[tilespmem:s30+$0x10] =	vst v3;
	v3 =	vld [tilespmem:s30+$0x20]  }
0x47: {  	v4 =	vld [tilespmem:s31+$0x20];
	_ =	sdelay $0x4  }
0x48: {  	v3 =	vadd.f32 v4, v3;
	_ =	sdelay $0x1  }
0x49: {  	[tilespmem:s30+$0x20] =	vst v3;
	v3 =	vld [tilespmem:s30+$0x30]  }
0x4a: {  	v4 =	vld [tilespmem:s31+$0x30];
	_ =	sdelay $0x4  }
0x4b: {  	v3 =	vadd.f32 v4, v3  }
0x4c: {  	s0 =	simm.s32 $0x0;
	s3 =	sadd.s32 $0x400, s30  }
.LBB2_4:
0x4d: {  	v4 =	vld [tilespmem:s3+$0xFFFFFFC0];
	[tilespmem:s30+$0x30] =	vst v3;
	s31 =	sadd.s32 $0x400, s31;
	s30 =	smov.u32 s3  }
0x4e: {  	s0 =	sadd.s32 $0x8, s0;
	v3 =	vld [tilespmem:s31+$0xFFFFFFC0]  }
0x4f: {  	p0 =	slt.u32 s0, $0x38;
	_ =	sdelay $0x3  }
0x50: {  	v3 =	vadd.f32 v3, v4;
	_ =	sdelay $0x1  }
0x51: {  	[tilespmem:s3+$0xFFFFFFC0] =	vst v3;
	v3 =	vld [tilespmem:s3+$0xFFFFFFD0]  }
0x52: {  	v4 =	vld [tilespmem:s31+$0xFFFFFFD0];
	_ =	sdelay $0x4  }
0x53: {  	v3 =	vadd.f32 v4, v3;
	_ =	sdelay $0x1  }
0x54: {  	[tilespmem:s3+$0xFFFFFFD0] =	vst v3;
	v3 =	vld [tilespmem:s3+$0xFFFFFFE0]  }
0x55: {  	v4 =	vld [tilespmem:s31+$0xFFFFFFE0];
	_ =	sdelay $0x4  }
0x56: {  	v3 =	vadd.f32 v4, v3;
	_ =	sdelay $0x1  }
0x57: {  	[tilespmem:s3+$0xFFFFFFE0] =	vst v3;
	v3 =	vld [tilespmem:s3+$0xFFFFFFF0]  }
0x58: {  	v4 =	vld [tilespmem:s31+$0xFFFFFFF0];
	_ =	sdelay $0x4  }
0x59: {  	v3 =	vadd.f32 v4, v3;
	_ =	sdelay $0x1  }
0x5a: {  	[tilespmem:s3+$0xFFFFFFF0] =	vst v3;
	v3 =	vld [tilespmem:s3+$0x0]  }
0x5b: {  	v4 =	vld [tilespmem:s31+$0x0];
	_ =	sdelay $0x4  }
0x5c: {  	v3 =	vadd.f32 v4, v3;
	_ =	sdelay $0x1  }
0x5d: {  	[tilespmem:s3+$0x0] =	vst v3;
	v3 =	vld [tilespmem:s3+$0x10]  }
0x5e: {  	v4 =	vld [tilespmem:s31+$0x10];
	_ =	sdelay $0x4  }
0x5f: {  	v3 =	vadd.f32 v4, v3;
	_ =	sdelay $0x1  }
0x60: {  	[tilespmem:s3+$0x10] =	vst v3;
	v3 =	vld [tilespmem:s3+$0x20]  }
0x61: {  	v4 =	vld [tilespmem:s31+$0x20];
	_ =	sdelay $0x4  }
0x62: {  	v3 =	vadd.f32 v4, v3;
	_ =	sdelay $0x1  }
0x63: {  	[tilespmem:s3+$0x20] =	vst v3;
	v3 =	vld [tilespmem:s3+$0x30]  }
0x64: {  	v4 =	vld [tilespmem:s31+$0x30];
	_ =	sdelay $0x1  }
.Ltmp0:
0x65: {  	(pc) =	sbr.rel @p0 .LBB2_4-.Ltmp0, $3  }
0x66: {  	_ =	sdelay $0x1  }
0x67: {  	v3 =	vadd.f32 v4, v3  }
0x68: {  	s3 =	sadd.s32 $0x400, s3  }
0x69: {  	s29 =	sadd.s32 $0x1, s29  }
0x6a: {  	p0 =	sne.s32 s29, $0x20  }
.Ltmp1:
0x6b: {  	_ = 	snop;
	(pc) =	sbr.rel @p0 .LBB2_3-.Ltmp1, $2  }
0x6c: {  	_ =	sdelay $0x2  }
0x6d: {  	[tilespmem:s30+$0x30] =	vst v3;
	s28 =	sadd.s32 $0x400, s28;
	s26 =	sadd.s32 $0x1, s26  }
0x6e: {  	s24 =	sadd.s32 $0x1, s24  }
0x6f: {  	p0 =	sne.s32 s24, $0x4  }
.Ltmp2:
0x70: {  	s0 =	sadd.s32 s6, s25;
	(pc) =	sbr.rel @p0 .LBB2_2-.Ltmp2, $4  }
0x71: {  	[hbm4b:s0+s2] =	stream.linear.scatter [tilespmem:s22], [sflag:$0x2], $0x8000, $0x38;
	[tilespmem:$0xC080] =	vst v63  }
0x72: {  	_ =	swait.ge [sflag:s12], $0x8000  }
0x73: {  	[sflag:s12] =	ssyncset.done $0x0  }
0x74: {  	[sflag:s12] =	ssyncadd.s32 $0xFFFF8000  }
0x75: {  	s23 =	sadd.s32 $0x1, s23  }
0x76: {  	p0 =	sne.s32 s23, s11  }
.Ltmp3:
0x77: {  	_ = 	snop;
	(pc) =	sbr.rel @p0 .LBB2_1-.Ltmp3, $1  }
0x78: {  	_ =	sdelay $0x3  }
0x79: {  	_ =	sfence.sel $0x180000  }
0x7a: {  	[bflag:$0x0] =	sbarrier.arrive $0xFFFF  }
0x7b: {  	_ =	strace $0x90000047  }
0x7c: {  	s0 =	stileid.u32;
	[bflag:$0x2] =	sbarrier.arrive $0xFFFF  }
0x7d: {  	p0 =	sne.s32 s0, $0x0;
	s0 =	rddreg [dreg:$0x2]  }
0x7e: {  	s0 =	sadd.s32 @!p0 $0x100000, s0  }
0x7f: {  	[sflag:s0] =	ssyncadd.tile.s32 @!p0 $0x1;
	_ =	shalt  }
.Lfunc_end2:
_tile_overlayer_lowered:
.L_overlay_start_2:
0x80: {  	(tag) =	ssettag $0x2  }
0x81: {  	s0 =	rddreg [dreg:$0x0];
	s2 =	stileid.u32  }
0x82: {  	s1 =	rddreg [dreg:$0x1];
	p0 =	sne.s32 s2, $0x0  }
0x83: {  	s3 =	rddreg [dreg:$0x2];
	[bflag:$0x3] =	sbarrier.arrive $0xFFFF;
	s2 =	simm.s32 @!p0 $0x1C02  }
0x84: {  	[timem:s3], [sflag:s2] =	dma.local @!p0 [hbm:s0], s1  }
0x85: {  	s0 =	simm.s32 @!p0 $0x2  }
0x86: {  	_ =	swait.ge @!p0 [sflag:s0], s1  }
0x87: {  	s1 =	ssub.s32 @!p0 $0x0, s1;
	[sflag:s0] =	ssyncset.done @!p0 $0x0  }
0x88: {  	[sflag:s0] =	ssyncadd.s32 @!p0 s1  }
0x89: {  	[bflag:$0x3] =	sbarrier.arrive $0xFFFF  }
0x8a: {  	_ =	shalt  }

</sc_bundles>
